<compile_context>
chip_gen: v7x
topology: tpu7x:2x2x1
jax: 0.10.2.dev20260603
libtpu: 0.0.44.dev20260713+nightly
codegen_flags: <defaults>
</compile_context>

<pallas_src>
import functools

import jax
import jax.numpy as jnp
from jax import lax
from jax.experimental import pallas as pl
from jax.experimental.pallas import tpu as pltpu
from jax.experimental.pallas import tpu_sc as plsc

B = 64
L_OUT = 375
V = 16384
D = 1280
T_PAD = 384
N_TOK = B * T_PAD
NC = 2
NS = 16
NW = NC * NS
TOK_PER_W = N_TOK // NW
CHUNK = 64
N_CHUNKS = TOK_PER_W // CHUNK


def _sc_gather(codebook, tok_flat):
    mesh = plsc.VectorSubcoreMesh(core_axis_name="c", subcore_axis_name="s")

    @functools.partial(
        pl.kernel,
        out_type=jax.ShapeDtypeStruct((N_TOK, D), jnp.float32),
        mesh=mesh,
        scratch_types=[
            pltpu.VMEM((CHUNK,), jnp.int32),
            pltpu.VMEM((CHUNK, D), jnp.float32),
            pltpu.SemaphoreType.DMA,
        ],
    )
    def gather_kernel(table_hbm, idx_hbm, out_hbm, idx_v, rows_v, sem):
        wid = lax.axis_index("s") * NC + lax.axis_index("c")
        base = wid * TOK_PER_W

        @pl.loop(0, N_CHUNKS)
        def _(c):
            start = base + c * CHUNK
            pltpu.sync_copy(idx_hbm.at[pl.ds(start, CHUNK)], idx_v)
            pltpu.async_copy(table_hbm.at[idx_v], rows_v, sem).wait()
            pltpu.sync_copy(rows_v, out_hbm.at[pl.ds(start, CHUNK)])

    return gather_kernel(codebook, tok_flat)


def _tc_transpose_mask(gathered, seq_lens):

    def body(seq_ref, x_ref, o_ref):
        b = pl.program_id(0)
        x = x_ref[0]
        xt = x.T
        t_iota = lax.broadcasted_iota(jnp.int32, (D, T_PAD), 1)
        y = jnp.where(t_iota < seq_ref[b], xt, 0.0)
        o_ref[0] = y[:, :L_OUT]

    return pl.pallas_call(
        body,
        grid=(B,),
        in_specs=[
            pl.BlockSpec(memory_space=pltpu.SMEM),
            pl.BlockSpec((1, T_PAD, D), lambda b: (b, 0, 0)),
        ],
        out_specs=pl.BlockSpec((1, D, L_OUT), lambda b: (b, 0, 0)),
        out_shape=jax.ShapeDtypeStruct((B, D, L_OUT), jnp.float32),
        compiler_params=pltpu.CompilerParams(
            dimension_semantics=("parallel",),
        ),
    )(seq_lens, gathered.reshape(B, T_PAD, D))


def kernel(codebook, audio_tokens, seq_lens):
    tok_flat = jnp.pad(audio_tokens, ((0, 0), (0, T_PAD - L_OUT))).reshape(-1)
    gathered = _sc_gather(codebook, tok_flat)
    out = _tc_transpose_mask(gathered, seq_lens)
    return (out, seq_lens)

# --- scband reference (transcript-rebuilt; emitter-appended) ---
"""Pipeline reference for scband-glm4-encoder-73899207295235 (READ-ONLY COPY).

The authoritative reference and input builder live on the scoring server;
editing this copy changes nothing except your own understanding.
"""

import jax, jax.numpy as jnp
import numpy as np

B = 64        # batch of utterances
L_OUT = 375   # fixed output length from the module
V = 16384     # codebook size (GLM-4-voice whisper VQ)
D = 1280      # code dim (whisper-large hidden)

def setup_inputs(seed: int = 0) -> dict:
    key = jax.random.key(seed)
    k1, k2, k3 = jax.random.split(key, 3)
    codebook = jax.random.normal(k1, (V, D), dtype=jnp.float32) * 0.02
    audio_tokens = jax.random.randint(k2, (B, L_OUT), 0, V, dtype=jnp.int32)
    seq_lens = jax.random.randint(k3, (B,), 1, L_OUT + 1, dtype=jnp.int32)
    return {"codebook": codebook, "audio_tokens": audio_tokens, "seq_lens": seq_lens}

def reference(codebook, audio_tokens, seq_lens):
    # Core computation of GLM4Encoder.forward (sans audio file I/O):
    # 1) look up VQ codebook embeddings for each utterance's token ids
    # 2) pad/truncate to fixed output_length=375 (zero beyond each seq_len)
    # 3) transpose to [B, D, T]
    emb = jnp.take(codebook, audio_tokens, axis=0)  # [B, L_OUT, D]
    mask = jnp.arange(L_OUT)[None, :] < seq_lens[:, None]  # [B, L_OUT]
    emb = jnp.where(mask[:, :, None], emb, 0.0)
    output_hidden_states = jnp.transpose(emb, (0, 2, 1))  # [B, D, L_OUT]
    return (output_hidden_states, seq_lens)

if __name__ == "__main__":
    import jax
    _d = setup_inputs()
    print(jax.jit(kernel)(*tuple(_d.values())))

</pallas_src>

<mosaic_0001>
#map = affine_map<(d0, d1) -> (0, 0)>
#map1 = affine_map<(d0, d1) -> (0)>
module attributes {stable_mosaic.version = 14 : i64} {
  func.func @gather_kernel(%arg0: i32, %arg1: i32, %arg2: memref<16384x1280xf32, #tpu.memory_space<hbm>>, %arg3: memref<24576xi32, #tpu.memory_space<hbm>>, %arg4: memref<24576x1280xf32, #tpu.memory_space<hbm>>, %arg5: memref<64xi32, #tpu.memory_space<vmem>>, %arg6: memref<64x1280xf32, #tpu.memory_space<vmem>>, %arg7: memref<!tpu.dma_semaphore, #tpu.memory_space<semaphore_mem>>) attributes {dimension_semantics = [#tpu.dimension_semantics<core_parallel>, #tpu.dimension_semantics<subcore_parallel>], iteration_bounds = array<i64: 2, 16>, scalar_prefetch = 0 : i64, scratch_operands = 3 : i64, tpu.core_type = #tpu.core_type<sc_vector_subcore>, window_params = [{transform_indices = #map}, {transform_indices = #map1}, {transform_indices = #map}]} {
    %mul3A = arith.constant 2 : i32
    %mul3A_0 = arith.muli %arg1, %mul3A : i32
    %add3A = arith.addi %mul3A_0, %arg0 : i32
    %mul3A_1 = arith.constant 768 : i32
    %mul3A_2 = arith.muli %add3A, %mul3A_1 : i32
    %scan3A = arith.constant 0 : i32
    %scan3A_3 = arith.constant 12 : i32
    %scan3A_4 = arith.addi %scan3A, %scan3A_3 : i32
    %scan3A_5 = arith.constant 1 : i32
    scf.for %scan3A_7 = %scan3A to %scan3A_4 step %scan3A_5  : i32 {
      %mul3A_8 = arith.constant 1 : i32
      %mul3A_9 = arith.muli %scan3A_7, %mul3A_8 : i32
      %add3A_10 = arith.constant 0 : i32
      %add3A_11 = arith.addi %add3A_10, %mul3A_9 : i32
      %mul3A_12 = arith.constant 64 : i32
      %mul3A_13 = arith.muli %add3A_11, %mul3A_12 : i32
      %add3A_14 = arith.addi %mul3A_2, %mul3A_13 : i32
      "tpu.region"() ({
        %run_scoped3A = tpu.sem_alloc : memref<!tpu.dma_semaphore, #tpu.memory_space<semaphore_mem>>
        %dma_start3A_19 = tpu.memref_slice %arg3[%add3A_14] : memref<24576xi32, #tpu.memory_space<hbm>> -> memref<64xi32, #tpu.memory_space<hbm>>
        %dma_start3A_20 = tpu.memref_slice %arg3[%add3A_14] : memref<24576xi32, #tpu.memory_space<hbm>> -> memref<64xi32, #tpu.memory_space<hbm>>
        tpu.enqueue_dma source(%dma_start3A_20 : memref<64xi32, #tpu.memory_space<hbm>>) target(%arg5 : memref<64xi32, #tpu.memory_space<vmem>>) target_semaphore(%run_scoped3A : memref<!tpu.dma_semaphore, #tpu.memory_space<semaphore_mem>>)
        %dma_wait3A_21 = tpu.memref_slice %arg3[%add3A_14] : memref<24576xi32, #tpu.memory_space<hbm>> -> memref<64xi32, #tpu.memory_space<hbm>>
        %dma_wait3A_22 = tpu.memref_slice %arg3[%add3A_14] : memref<24576xi32, #tpu.memory_space<hbm>> -> memref<64xi32, #tpu.memory_space<hbm>>
        tpu.wait_dma2 semaphore(%run_scoped3A : memref<!tpu.dma_semaphore, #tpu.memory_space<semaphore_mem>>) src(%dma_wait3A_22 : memref<64xi32, #tpu.memory_space<hbm>>) dst(%arg5 : memref<64xi32, #tpu.memory_space<vmem>>)
        tpu.yield
      }) : () -> ()
      %dma_start3A = arith.constant 0 : i32
      %dma_start3A_15 = arith.constant 0 : i32
      %dma_start3A_16 = tpu.memref_slice %arg2[%dma_start3A, %dma_start3A_15] : memref<16384x1280xf32, #tpu.memory_space<hbm>> -> memref<16384x1280xf32, #tpu.memory_space<hbm>>
      tpu.enqueue_indirect_dma source(%dma_start3A_16 : memref<16384x1280xf32, #tpu.memory_space<hbm>>) target(%arg6 : memref<64x1280xf32, #tpu.memory_space<vmem>>) offsets(%arg5 : memref<64xi32, #tpu.memory_space<vmem>>) semaphore(%arg7 : memref<!tpu.dma_semaphore, #tpu.memory_space<semaphore_mem>>)
      %dma_wait3A = arith.constant 0 : i32
      %dma_wait3A_17 = arith.constant 0 : i32
      %dma_wait3A_18 = tpu.memref_slice %arg2[%dma_wait3A, %dma_wait3A_17] : memref<16384x1280xf32, #tpu.memory_space<hbm>> -> memref<16384x1280xf32, #tpu.memory_space<hbm>>
      tpu.wait_indirect_dma semaphore(%arg7 : memref<!tpu.dma_semaphore, #tpu.memory_space<semaphore_mem>>) src(%dma_wait3A_18 : memref<16384x1280xf32, #tpu.memory_space<hbm>>) dst(%arg6 : memref<64x1280xf32, #tpu.memory_space<vmem>>)
      "tpu.region"() ({
        %run_scoped3A = tpu.sem_alloc : memref<!tpu.dma_semaphore, #tpu.memory_space<semaphore_mem>>
        %dma_start3A_19 = arith.constant 0 : i32
        %dma_start3A_20 = tpu.memref_slice %arg4[%add3A_14, %dma_start3A_19] : memref<24576x1280xf32, #tpu.memory_space<hbm>> -> memref<64x1280xf32, #tpu.memory_space<hbm>>
        %dma_start3A_21 = arith.constant 0 : i32
        %dma_start3A_22 = tpu.memref_slice %arg4[%add3A_14, %dma_start3A_21] : memref<24576x1280xf32, #tpu.memory_space<hbm>> -> memref<64x1280xf32, #tpu.memory_space<hbm>>
        tpu.enqueue_dma source(%arg6 : memref<64x1280xf32, #tpu.memory_space<vmem>>) target(%dma_start3A_22 : memref<64x1280xf32, #tpu.memory_space<hbm>>) target_semaphore(%run_scoped3A : memref<!tpu.dma_semaphore, #tpu.memory_space<semaphore_mem>>)
        %dma_wait3A_23 = arith.constant 0 : i32
        %dma_wait3A_24 = tpu.memref_slice %arg4[%add3A_14, %dma_wait3A_23] : memref<24576x1280xf32, #tpu.memory_space<hbm>> -> memref<64x1280xf32, #tpu.memory_space<hbm>>
        %dma_wait3A_25 = arith.constant 0 : i32
        %dma_wait3A_26 = tpu.memref_slice %arg4[%add3A_14, %dma_wait3A_25] : memref<24576x1280xf32, #tpu.memory_space<hbm>> -> memref<64x1280xf32, #tpu.memory_space<hbm>>
        tpu.wait_dma2 semaphore(%run_scoped3A : memref<!tpu.dma_semaphore, #tpu.memory_space<semaphore_mem>>) src(%arg6 : memref<64x1280xf32, #tpu.memory_space<vmem>>) dst(%dma_wait3A_26 : memref<64x1280xf32, #tpu.memory_space<hbm>>)
        tpu.yield
      }) : () -> ()
    }
    %scan3A_6 = arith.constant 12 : i32
    return
  }
}

module attributes {stable_mosaic.version = 14 : i64} {
  func.func @body(%arg0: i32, %arg1: memref<64xi32, #tpu.memory_space<smem>>, %arg2: memref<1x384x1280xf32, #tpu.memory_space<vmem>>, %arg3: memref<1x1280x375xf32, #tpu.memory_space<vmem>>) attributes {dimension_semantics = [#tpu.dimension_semantics<parallel>], iteration_bounds = array<i64: 64>, scalar_prefetch = 0 : i64, scratch_operands = 0 : i64, tpu.core_type = #tpu.core_type<tc>, window_params = [{transform_indices = @transform_0, window_bounds = array<i64: 64>}, {transform_indices = @transform_1, window_bounds = array<i64: 1, 384, 1280>}, {transform_indices = @transform_2, window_bounds = array<i64: 1, 1280, 375>}]} {
    %get3A = arith.constant 0 : index
    %get3A_0 = arith.constant 0 : index
    %get3A_1 = arith.constant 0 : index
    %get3A_2 = vector.load %arg2[%get3A, %get3A_0, %get3A_1] : memref<1x384x1280xf32, #tpu.memory_space<vmem>>, vector<1x384x1280xf32>
    %get3A_3 = vector.shape_cast %get3A_2 : vector<1x384x1280xf32> to vector<384x1280xf32>
    %transpose3A = tpu.transpose %get3A_3, [1, 0] : vector<384x1280xf32> -> vector<1280x384xf32>
    %iota3A = tpu.iota {dimensions = array<i32: 1>} : vector<1280x384xi32>
    %get3A_4 = arith.index_cast %arg0 : i32 to index
    %get3A_5 = memref.load %arg1[%get3A_4] : memref<64xi32, #tpu.memory_space<smem>>
    %lt3A = vector.broadcast %get3A_5 : i32 to vector<1280x384xi32>
    %lt3A_6 = arith.cmpi slt, %iota3A, %lt3A : vector<1280x384xi32>
    %jit3A = arith.constant 0.000000e+00 : f32
    %broadcast_in_dim3A = vector.broadcast %jit3A : f32 to vector<1280x384xf32>
    %select_n3A = arith.select %lt3A_6, %transpose3A, %broadcast_in_dim3A : vector<1280x384xi1>, vector<1280x384xf32>
    %slice3A = vector.extract_strided_slice %select_n3A {offsets = [0, 0], sizes = [1280, 375], strides = [1, 1]} : vector<1280x384xf32> to vector<1280x375xf32>
    %swap3A = arith.constant 0 : index
    %swap3A_7 = arith.constant 0 : index
    %swap3A_8 = arith.constant 0 : index
    %swap3A_9 = vector.load %arg3[%swap3A, %swap3A_7, %swap3A_8] : memref<1x1280x375xf32, #tpu.memory_space<vmem>>, vector<1x1280x375xf32>
    %swap3A_10 = vector.shape_cast %swap3A_9 : vector<1x1280x375xf32> to vector<1280x375xf32>
    %swap3A_11 = vector.shape_cast %slice3A : vector<1280x375xf32> to vector<1x1280x375xf32>
    tpu.vector_store %arg3[%swap3A, %swap3A_7, %swap3A_8], %swap3A_11 {strides = array<i32>} : memref<1x1280x375xf32, #tpu.memory_space<vmem>>, vector<1x1280x375xf32>,
    return
  }
  func.func @transform_0(%arg0: i32) -> i32 {
    %c0_i32 = arith.constant 0 : i32
    %c0_i32_0 = arith.constant 0 : i32
    return %c0_i32 : i32
  }
  func.func @transform_1(%arg0: i32) -> (i32, i32, i32) {
    %c0_i32 = arith.constant 0 : i32
    %c0_i32_0 = arith.constant 0 : i32
    %c0_i32_1 = arith.constant 0 : i32
    return %arg0, %c0_i32, %c0_i32_0 : i32, i32, i32
  }
  func.func @transform_2(%arg0: i32) -> (i32, i32, i32) {
    %c0_i32 = arith.constant 0 : i32
    %c0_i32_0 = arith.constant 0 : i32
    %c0_i32_1 = arith.constant 0 : i32
    return %arg0, %c0_i32, %c0_i32_0 : i32, i32, i32
  }
}

</mosaic_0001>

<sc_bundles>
// kernel: kernel.4.cloned.1.call-start
scs
__scs_entry_jumppad:
0x0: {  	(pc) =	sbr.rel $0x88, $3  }
0x1: {  	(tag) =	ssettag $0x0;
	lr =	simm.s32 $0x1  }
0x2: {  	[smem:$0x3F9E] =	sst lr;
	_ =	strace $0xD0000000  }
0x3: {  	_ = 	snop  }
0x4: {  	_ = 	snop  }
0x5: {  	_ = 	snop  }
0x6: {  	_ = 	snop  }
0x7: {  	_ = 	snop  }
__scs_overlays_trampoline_lowered:
0x8: {  	[smem:$0x3FAD] =	sst s0  }
0x9: {  	[smem:$0x3FAE] =	sst s1  }
0xa: {  	[smem:$0x3FAF] =	sst s2  }
0xb: {  	[smem:$0x3FB0] =	sst s3  }
0xc: {  	[smem:$0x3FB1] =	sst s4  }
0xd: {  	[smem:$0x3FB2] =	sst s5  }
0xe: {  	[smem:$0x3FB3] =	sst s6  }
0xf: {  	[smem:$0x3FB4] =	sst s7  }
0x10: {  	[smem:$0x3FB5] =	sst s8  }
0x11: {  	[smem:$0x3FB6] =	sst s9;
	s0 =	simm.s32 @!p0 $0x0  }
0x12: {  	s1 =	sld [smem:$0x3F9C];
	s0 =	simm.s32 @p0 $0x1  }
0x13: {  	[smem:$0x3FB7] =	sst s0;
	s0 =	simm.s32 @!p1 $0x0  }
0x14: {  	s2 =	sld [smem:$0x3F9B];
	s0 =	simm.s32 @p1 $0x1  }
0x15: {  	[smem:$0x3FB8] =	sst s0;
	s0 =	simm.s32 @!p2 $0x0  }
0x16: {  	s3 =	sld [smem:$0x3FDB];
	s0 =	simm.s32 @p2 $0x1  }
0x17: {  	s4 =	simm.s32 $0x1BF5;
	[smem:$0x3FBA] =	sst s0  }
0x18: {  	s0 =	sld [smem:$0x3F9D];
	_ =	swait.ge [sflag:s4], $0x0  }
0x19: {  	s7 =	sld [smem:$0x3F9E]  }
0x1a: {  	s8 =	sadd.s32 $0xFFFFE003, lr  }
0x1b: {  	s9 =	sadd.s32 $0xFFFFFEF7, lr;
	s5 =	simm.s32 $0xFFFFFFFF;
	p2 =	slt.u32 s8, $0xFFFFF086  }
0x1c: {  	p1 =	slt.u32 s9, $0xF7A;
	s5 =	simm.s32 @!p2 $0x0  }
0x1d: {  	s5 =	simm.s32 @p1 $0x1;
	p0 =	seq.s32 s7, s2  }
0x1e: {  	s7 =	smul.u32 @!p0 $0xF7A, s2;
	p2 =	seq.s32 @!p0 s5, $0x0  }
0x1f: {  	s9 =	smul.u32 $0xF7A, s1;
	s8 =	simm.s32 @!p0 $0x1BF5;
	p2 =	por !p2, p0  }
0x20: {  	[sflag:s8] =	ssyncset.s32 @!p0 $0xFFFFF086;
	s6 =	sadd.s32 @!p0 s3, s7;
	s7 =	simm.s32 @!p0 $0x108  }
0x21: {  	s3 =	sadd.s32 s3, s9;
	s6 =	sadd.s32 @!p0 $0x88, s6;
	s7 =	simm.s32 @p2 $0x1082  }
0x22: {  	[simem:s7], [sflag:s8] =	dma.local @!p0 [hbm:s6], $0xF7A  }
0x23: {  	s9 =	sor.u32 $0xD0000000, s2;
	s6 =	simm.s32 $0x108;
	_ =	swait.ge @!p0 [sflag:s8], $0x0  }
0x24: {  	s3 =	sadd.s32 $0x88, s3;
	s6 =	simm.s32 @!p1 $0x1082;
	[sflag:s4] =	ssyncset.s32 $0xFFFFF086  }
0x25: {  	[simem:s6], [sflag:s4] =	dma.local [hbm:s3], $0xF7A  }
0x26: {  	[smem:$0x3F9E] =	sst s1;
	(tag) =	ssettag s2;
	_ =	strace s9  }
0x27: {  	s1 =	sld [smem:$0x3FAE]  }
0x28: {  	s2 =	sld [smem:$0x3FAF]  }
0x29: {  	s4 =	sld [smem:$0x3FB1]  }
0x2a: {  	p0 =	seq.s32 s5, $0x0;
	s5 =	sld [smem:$0x3FB2]  }
0x2b: {  	s6 =	sld [smem:$0x3FB3]  }
0x2c: {  	s7 =	sld [smem:$0x3FB4]  }
0x2d: {  	s3 =	simm.s32 $0x108;
	s8 =	sld [smem:$0x3FB5]  }
0x2e: {  	s3 =	simm.s32 @!p0 $0x1082;
	s9 =	sld [smem:$0x3FB6]  }
0x2f: {  	lr =	sadd.s32 s0, s3;
	s0 =	sld [smem:$0x3FAD]  }
0x30: {  	s3 =	sld [smem:$0x3FB0]  }
0x31: {  	[smem:$0x3FB9] =	sst s10  }
0x32: {  	s10 =	sld [smem:$0x3FB7];
	_ =	sdelay $0x3  }
0x33: {  	p0 =	seq.s32 s10, $0x1;
	s10 =	sld [smem:$0x3FB9];
	_ =	sdelay $0x3  }
0x34: {  	[smem:$0x3FB9] =	sst s10  }
0x35: {  	s10 =	sld [smem:$0x3FB8];
	_ =	sdelay $0x3  }
0x36: {  	p1 =	seq.s32 s10, $0x1;
	s10 =	sld [smem:$0x3FB9];
	_ =	sdelay $0x3  }
0x37: {  	[smem:$0x3FB9] =	sst s10  }
0x38: {  	s10 =	sld [smem:$0x3FBA]  }
0x39: {  	_ = 	snop;
	(pc) =	sbr.ind lr, $3  }
0x3a: {  	_ = 	snop  }
0x3b: {  	_ = 	snop  }
0x3c: {  	p2 =	seq.s32 s10, $0x1;
	s10 =	sld [smem:$0x3FB9]  }
0x3d: {  	_ =	shalt  }
0x3e: {  	_ =	shalt  }
0x3f: {  	_ =	shalt  }
0x40: {  	_ =	shalt  }
0x41: {  	_ =	shalt  }
0x42: {  	_ =	shalt  }
0x43: {  	_ =	shalt  }
0x44: {  	_ =	shalt  }
0x45: {  	_ =	shalt  }
0x46: {  	_ =	shalt  }
0x47: {  	_ =	shalt  }
0x48: {  	_ =	shalt  }
0x49: {  	_ =	shalt  }
0x4a: {  	_ =	shalt  }
0x4b: {  	_ =	shalt  }
0x4c: {  	_ =	shalt  }
0x4d: {  	_ =	shalt  }
0x4e: {  	_ =	shalt  }
0x4f: {  	_ =	shalt  }
0x50: {  	_ =	shalt  }
0x51: {  	_ =	shalt  }
0x52: {  	_ =	shalt  }
0x53: {  	_ =	shalt  }
0x54: {  	_ =	shalt  }
0x55: {  	_ =	shalt  }
0x56: {  	_ =	shalt  }
0x57: {  	_ =	shalt  }
0x58: {  	_ =	shalt  }
0x59: {  	_ =	shalt  }
0x5a: {  	_ =	shalt  }
0x5b: {  	_ =	shalt  }
0x5c: {  	_ =	shalt  }
0x5d: {  	_ =	shalt  }
0x5e: {  	_ =	shalt  }
0x5f: {  	_ =	shalt  }
0x60: {  	_ =	shalt  }
0x61: {  	_ =	shalt  }
0x62: {  	_ =	shalt  }
0x63: {  	_ =	shalt  }
0x64: {  	_ =	shalt  }
0x65: {  	_ =	shalt  }
0x66: {  	_ =	shalt  }
0x67: {  	_ =	shalt  }
0x68: {  	_ =	shalt  }
0x69: {  	_ =	shalt  }
0x6a: {  	_ =	shalt  }
0x6b: {  	_ =	shalt  }
0x6c: {  	_ =	shalt  }
0x6d: {  	_ =	shalt  }
0x6e: {  	_ =	shalt  }
0x6f: {  	_ =	shalt  }
0x70: {  	_ =	shalt  }
0x71: {  	_ =	shalt  }
0x72: {  	_ =	shalt  }
0x73: {  	_ =	shalt  }
0x74: {  	_ =	shalt  }
0x75: {  	_ =	shalt  }
0x76: {  	_ =	shalt  }
0x77: {  	_ =	shalt  }
0x78: {  	_ =	shalt  }
0x79: {  	_ =	shalt  }
0x7a: {  	_ =	shalt  }
0x7b: {  	_ =	shalt  }
0x7c: {  	_ =	shalt  }
0x7d: {  	_ =	shalt  }
0x7e: {  	_ =	shalt  }
0x7f: {  	_ =	shalt  }
0x80: {  	_ =	shalt  }
0x81: {  	_ =	shalt  }
0x82: {  	_ =	shalt  }
0x83: {  	_ =	shalt  }
0x84: {  	_ =	shalt  }
0x85: {  	_ =	shalt  }
0x86: {  	_ =	shalt  }
0x87: {  	_ =	shalt  }
.Lfunc_end0:
.L_simem_size_0:
called_computation_lowered:
.L_overlay_start_0:
0x88: {  	s2 =	sld [smem:$0x3FD9]  }
0x89: {  	s3 =	sld [smem:$0x3FFE];
	_ =	sdelay $0x1  }
0x8a: {  	s1 =	srdreg.scid  }
0x8b: {  	s0 =	sand.u32 $0x1, s1  }
0x8c: {  	s14 =	sshll.u32 s0, $0xA;
	s2 =	sadd.s32 s3, s2  }
0x8d: {  	s2 =	sadd.s32 s2, s14  }
0x8e: {  	[smem:$0x3FC5] =	sst s2  }
0x8f: {  	_ = 	snop  }
0x90: {  	s2 =	sld [smem:$0x3FD0];
	_ =	sdelay $0x2  }
0x91: {  	s4 =	simm.s32 $0xA;
	s5 =	simm.s32 $0x10;
	s15 =	sld [smem:$0x3FC9]  }
0x92: {  	[smem:s5], [sflag:s4] =	dma.local [hbm:s2], $0x1  }
0x93: {  	_ =	swait.eq [sflag:s4], $0x1  }
0x94: {  	[sflag:s4] =	ssyncset.done $0x0  }
0x95: {  	[sflag:s4] =	ssyncadd.s32 $0xFFFFFFFF  }
0x96: {  	s16 =	sld [smem:$0x10];
	(tm) =	ssettm $0x1  }
0x97: {  	s17 =	sld [smem:$0x3FFB];
	_ =	sdelay $0x3  }
0x98: {  	_ =	strace s17  }
0x99: {  	s4 =	sld [smem:$0x3FFC];
	_ =	sdelay $0x3  }
0x9a: {  	_ =	strace s4  }
0x9b: {  	s4 =	sld [smem:$0x3FFD];
	_ =	sdelay $0x3  }
0x9c: {  	_ =	strace s4  }
0x9d: {  	_ =	strace $0x8FFFFFFF  }
0x9e: {  	s18 =	sld [smem:$0x3FDB];
	_ =	sdelay $0x1  }
0x9f: {  	s19 =	simm.s32 $_scs_section_size  }
0xa0: {  	s6 =	simm.s32 $_size__tile_overlayer_lowered;
	s7 =	simm.s32 $_tile_overlayer_lowered  }
0xa1: {  	s22 =	simm.s32 $0x1BFF;
	s21 =	sshll.u32 s7, $0x1;
	s4 =	sadd.s32 s19, s18  }
0xa2: {  	s8 =	simm.s32 $0x0;
	s20 =	sshll.u32 s6, $0x1;
	s6 =	sadd.s32 s21, s4  }
0xa3: {  	[timem:s8], [sflag:s22] =	dma.local [hbm:s6], s20  }
0xa4: {  	_ =	swait.ge [sflag:s22], s20  }
0xa5: {  	s5 =	ssub.s32 $0x0, s20;
	[sflag:s22] =	ssyncset.done $0x0  }
0xa6: {  	[sflag:s22] =	ssyncadd.s32 s5;
	_ =	sdelay $0x1  }
0xa7: {  	s23 =	simm.s32 $0x1B8B  }
0xa8: {  	_ =	swait.ge [sflag:s23], $0x1  }
0xa9: {  	[sflag:s23] =	ssyncset.done $0x0  }
0xaa: {  	s25 =	simm.s32 $0x1B8E;
	s24 =	sld [smem:$0x3FFE];
	[sflag:s23] =	ssyncadd.s32 $0xFFFFFFFF  }
0xab: {  	s26 =	simm.s32 $execute0_lowered;
	[smem:$0x3FD2] =	sst s25  }
0xac: {  	s6 =	sshll.u32 s26, $0x1;
	_ =	strace $0x80000046;
	[dreg:$0x1] =	wrdreg $0xFFFFFFFF  }
0xad: {  	s28 =	simm.s32 $_size_execute0_lowered;
	s4 =	sadd.s32 s4, s6;
	[dreg:$0x0] =	wrdreg $0x0  }
0xae: {  	s6 =	sshll.u32 s28, $0x1;
	[dreg:$0x2] =	wrdreg s4  }
0xaf: {  	[dreg:$0x3] =	wrdreg s6  }
0xb0: {  	[dreg:$0x4] =	wrdreg $0xC0  }
0xb1: {  	_ =	task [dreg:s8], $0x5FFFF  }
0xb2: {  	[dreg:$0x1] =	wrdreg $0xFFFFFFFF  }
0xb3: {  	[dreg:$0x0] =	wrdreg $0x60  }
0xb4: {  	[dreg:$0x2] =	wrdreg s15  }
0xb5: {  	[dreg:$0x3] =	wrdreg s16  }
0xb6: {  	[dreg:$0x4] =	wrdreg s24  }
0xb7: {  	[dreg:$0x5] =	wrdreg $0x9  }
0xb8: {  	_ =	task.clear_ibuf [dreg:s8], $0x6FFFF;
	_ =	strace $0x90000046  }
0xb9: {  	s29 =	simm.s32 $0x9;
	_ =	strace $0x80000048  }
0xba: {  	_ =	swait.ge [sflag:s29], $0x1  }
0xbb: {  	[sflag:s29] =	ssyncadd.s32 $0xFFFFFFFF  }
0xbc: {  	_ =	strace $0x90000048  }
0xbd: {  	_ =	sfence  }
0xbe: {  	s30 =	sld [smem:$0x0];
	_ =	sdelay $0x2  }
0xbf: {  	s31 =	sshll.u32 s1, $0xD;
	s1 =	sshrl.u32 s1, $0x2  }
0xc0: {  	s3 =	sand.u32 $0x4000, s31;
	s1 =	sadd.s32 s1, s30  }
0xc1: {  	s0 =	sor.u32 s3, s0;
	s1 =	sshll.u32 s1, $0x11  }
0xc2: {  	s0 =	sor.u32 s1, s0  }
0xc3: {  	s0 =	sadd.s32 $0x8F2B, s0  }
0xc4: {  	[sflag:s0] =	ssyncadd.remote.s32 $0x1  }
0xc5: {  	_ =	sfence.sel $0xFFFF  }
0xc6: {  	[dreg:$0x0] =	wrdreg $0xFFFFFFFF;
	(pc) =	sbr.abs _section_cstart, $3  }
0xc7: {  	[dreg:$0x1] =	wrdreg $0xFFFFFFFF  }
0xc8: {  	_ =	task.clear_ibuf [dreg:s8], $0x2FFFF;
	_ =	strace $0x9FFFFFFF  }
0xc9: {  	(tm) =	ssettm $0x7FFFFFFF  }
tec
execute0_lowered:
.L_overlay_start_1:
0x0: {  	(tag) =	ssettag $0x1  }
0x1: {  	s2 =	rddreg [dreg:$0x0]  }
0x2: {  	s4 =	rddreg [dreg:$0x1]  }
0x3: {  	s6 =	rddreg [dreg:$0x2];
	s3 =	simm.s32 $0x0  }
0x4: {  	s7 =	simm.s32 $0x1080;
	[smem:$0x7FF] =	sst s3  }
0x5: {  	s8 =	simm.s32 $0x1880;
	_ =	strace $0x80000047;
	[dreg:$0x6] =	wrdreg s7  }
0x6: {  	s9 =	simm.s32 $0x2080;
	[dreg:$0x7] =	wrdreg s8  }
0x7: {  	s10 =	simm.s32 $0x2880;
	[dreg:$0x8] =	wrdreg s9  }
0x8: {  	s11 =	simm.s32 $0x3080;
	[dreg:$0x9] =	wrdreg s10  }
0x9: {  	s0 =	srdreg.scid;
	s12 =	simm.s32 $0x3880;
	[dreg:$0xa] =	wrdreg s11  }
0xa: {  	s1 =	stileid.u32;
	s13 =	simm.s32 $0x4080;
	[dreg:$0xb] =	wrdreg s12  }
0xb: {  	s14 =	simm.s32 $0x4880;
	s15 =	simm.s32 $0x5080;
	[dreg:$0xc] =	wrdreg s13  }
0xc: {  	s16 =	simm.s32 $0x5880;
	s17 =	simm.s32 $0x6080;
	[dreg:$0xd] =	wrdreg s14  }
0xd: {  	s18 =	simm.s32 $0x6880;
	s20 =	simm.s32 $0x7080;
	[dreg:$0xe] =	wrdreg s15  }
0xe: {  	s21 =	simm.s32 $0x7880;
	s22 =	simm.s32 $0x8080;
	[dreg:$0xf] =	wrdreg s16  }
0xf: {  	s23 =	simm.s32 $0xA080;
	s25 =	simm.s32 $0xA880;
	[dreg:$0x10] =	wrdreg s17  }
0x10: {  	s26 =	simm.s32 $0xB080;
	s28 =	simm.s32 $0x13080;
	[dreg:$0x11] =	wrdreg s18  }
0x11: {  	s29 =	simm.s32 $0x13880;
	s30 =	simm.s32 $0x1;
	[dreg:$0x12] =	wrdreg s20  }
0x12: {  	s0 =	sand.u32 $0x1, s0;
	s1 =	smul.u32 $0x600, s1;
	[dreg:$0x13] =	wrdreg s21  }
0x13: {  	s31 =	simm.s32 $0x0;
	s5 =	smul.u32 $0x300, s0;
	[dreg:$0x14] =	wrdreg s22  }
0x14: {  	s0 =	ssub.s32 $0x2, s0;
	s7 =	simm.s32 $0x8880;
	[dreg:$0x18] =	wrdreg s23  }
0x15: {  	s8 =	simm.s32 $0x9080;
	s9 =	simm.s32 $0x9880;
	[dreg:$0x19] =	wrdreg s25  }
0x16: {  	s10 =	simm.s32 $0x2;
	s11 =	simm.s32 $0x80;
	[dreg:$0x1a] =	wrdreg s26  }
0x17: {  	s12 =	simm.s32 $0xB880;
	s13 =	simm.s32 $0xC080;
	s14 =	simm.s32 $0xC880  }
0x18: {  	s15 =	simm.s32 $0xD080;
	s16 =	simm.s32 $0xD880;
	s17 =	simm.s32 $0xE080  }
0x19: {  	s18 =	simm.s32 $0xE880;
	s20 =	simm.s32 $0xF880;
	s21 =	simm.s32 $0x10080  }
0x1a: {  	s22 =	simm.s32 $0x10880;
	s23 =	simm.s32 $0x11080;
	s25 =	simm.s32 $0x12080  }
0x1b: {  	s26 =	simm.s32 $0x12880;
	s19 =	sshrl.u32 s0, $0x1;
	[dreg:$0x15] =	wrdreg s7  }
0x1c: {  	s7 =	sadd.s32 $0x400, s2;
	[dreg:$0x16] =	wrdreg s8;
	s1 =	sadd.s32 s5, s1  }
0x1d: {  	[dreg:$0x17] =	wrdreg s9;
	s5 =	simm.s32 $0x880;
	s1 =	sshrl.u32 s1, $0x3  }
0x1e: {  	s0 =	ssub.s32 s0, s19;
	s4 =	sadd.s32 s1, s4;
	s1 =	smul.u32 $0x500, s1  }
0x1f: {  	s19 =	simm.s32 $0xF080;
	[dreg:$0x5] =	wrdreg s5;
	s0 =	smax.u32 s0, $0x1  }
0x20: {  	v2 =	vlaneseq.u32;
	s5 =	sadd.s32 $0x200, s2;
	[dreg:$0x1b] =	wrdreg s0;
	s1 =	sadd.s32 s1, s6  }
0x21: {  	vm0 =	vmmov $0xffff;
	v1 =	vshrl.u32 v2, $0x3;
	[dreg:$0x4] =	wrdreg s4;
	s4 =	sadd.s32 $0x100, s2;
	s24 =	sadd.s32 $0x600, s1  }
0x22: {  	v0 =	vand.u32 $0x7, v2;
	v2 =	vor.u32 $0x8, v2;
	v1 =	vmul.u32 $0x8, v1;
	s6 =	sadd.s32 $0x300, s2;
	[dreg:$0x1c] =	wrdreg s24;
	s24 =	simm.s32 $0x11880  }
.LBB2_1:
0x23: {  	s1 =	simm.s32 $0x0;
	s9 =	rddreg [dreg:$0x1c]  }
.LBB2_2:
0x24: {  	s8 =	rddreg [dreg:$0x4]  }
0x25: {  	s8 =	sadd.s32 s1, s8  }
0x26: {  	[tilespmem:s3], [sflag:$0x2] =	stream.linear.gather [hbm4b:s8+s3], $0x40, $0x38;
	[tilespmem:$0x14080] =	vst v63  }
0x27: {  	_ =	swait.ge [sflag:s10], $0x40  }
0x28: {  	[sflag:s10] =	ssyncset.done $0x0  }
0x29: {  	[sflag:s10] =	ssyncadd.s32 $0xFFFFFFC0  }
0x2a: {  	v3 =	vld [tilespmem:$0x0];
	_ =	sdelay $0x4  }
0x2b: {  	v4 =	vshrl.u32 v3, $0x3  }
0x2c: {  	v4 =	vmul.u32 $0x50, v4  }
0x2d: {  	v3 =	vand.u32 $0x7, v3  }
0x2e: {  	v3 =	vor.u32 v3, v4  }
0x2f: {  	v4 =	vperm.xlane v3, v0;
	_ =	sdelay $0x1  }
0x30: {  	v4 =	vadd.s32 v1, v4;
	_ =	sdelay $0x4  }
0x31: {  	[tilespmem:s11], [sflag:$0x1] =	stream.indirect_vreg.gather [hbm4b:s2+s3], $0x80, v4, vm0, $0xb8;
	[tilespmem:$0x14080] =	vst v63  }
0x32: {  	s8 =	rddreg [dreg:$0x5]  }
0x33: {  	[tilespmem:s8], [sflag:$0x1] =	stream.indirect_vreg.gather [hbm4b:s4+s3], $0x80, v4, vm0, $0xb8;
	[tilespmem:$0x14080] =	vst v63  }
0x34: {  	s0 =	rddreg [dreg:$0x6];
	v3 =	vperm.xlane v3, v2  }
0x35: {  	[tilespmem:s0], [sflag:$0x1] =	stream.indirect_vreg.gather [hbm4b:s5+s3], $0x80, v4, vm0, $0xb8;
	[tilespmem:$0x14080] =	vst v63  }
0x36: {  	v3 =	vadd.s32 v1, v3;
	s8 =	rddreg [dreg:$0x7]  }
0x37: {  	[tilespmem:s8], [sflag:$0x1] =	stream.indirect_vreg.gather [hbm4b:s6+s3], $0x80, v4, vm0, $0xb8;
	[tilespmem:$0x14080] =	vst v63  }
0x38: {  	s0 =	rddreg [dreg:$0x8]  }
0x39: {  	[tilespmem:s0], [sflag:$0x1] =	stream.indirect_vreg.gather [hbm4b:s7+s3], $0x80, v4, vm0, $0xb8;
	[tilespmem:$0x14080] =	vst v63  }
0x3a: {  	s8 =	rddreg [dreg:$0x9]  }
0x3b: {  	[tilespmem:s8], [sflag:$0x1] =	stream.indirect_vreg.gather [hbm4b:s2+s3], $0x80, v3, vm0, $0xb8;
	[tilespmem:$0x14080] =	vst v63  }
0x3c: {  	s0 =	rddreg [dreg:$0xa]  }
0x3d: {  	[tilespmem:s0], [sflag:$0x1] =	stream.indirect_vreg.gather [hbm4b:s4+s3], $0x80, v3, vm0, $0xb8;
	[tilespmem:$0x14080] =	vst v63  }
0x3e: {  	s8 =	rddreg [dreg:$0xb]  }
0x3f: {  	[tilespmem:s8], [sflag:$0x1] =	stream.indirect_vreg.gather [hbm4b:s5+s3], $0x80, v3, vm0, $0xb8;
	[tilespmem:$0x14080] =	vst v63  }
0x40: {  	s0 =	rddreg [dreg:$0xc]  }
0x41: {  	[tilespmem:s0], [sflag:$0x1] =	stream.indirect_vreg.gather [hbm4b:s6+s3], $0x80, v3, vm0, $0xb8;
	[tilespmem:$0x14080] =	vst v63  }
0x42: {  	s8 =	rddreg [dreg:$0xd]  }
0x43: {  	[tilespmem:s8], [sflag:$0x1] =	stream.indirect_vreg.gather [hbm4b:s7+s3], $0x80, v3, vm0, $0xb8;
	[tilespmem:$0x14080] =	vst v63  }
0x44: {  	v3 =	vld [tilespmem:$0x10];
	_ =	sdelay $0x4  }
0x45: {  	v61 =	vshrl.u32 v3, $0x3  }
0x46: {  	v4 =	vmul.u32 $0x50, v61  }
0x47: {  	v3 =	vand.u32 $0x7, v3  }
0x48: {  	v3 =	vor.u32 v3, v4  }
0x49: {  	v4 =	vperm.xlane v3, v0;
	_ =	sdelay $0x1  }
0x4a: {  	v4 =	vadd.s32 v1, v4;
	_ =	sdelay $0x3  }
0x4b: {  	s0 =	rddreg [dreg:$0xe]  }
0x4c: {  	[tilespmem:s0], [sflag:$0x1] =	stream.indirect_vreg.gather [hbm4b:s2+s3], $0x80, v4, vm0, $0xb8;
	[tilespmem:$0x14080] =	vst v63  }
0x4d: {  	s8 =	rddreg [dreg:$0xf]  }
0x4e: {  	[tilespmem:s8], [sflag:$0x1] =	stream.indirect_vreg.gather [hbm4b:s4+s3], $0x80, v4, vm0, $0xb8;
	[tilespmem:$0x14080] =	vst v63  }
0x4f: {  	v3 =	vperm.xlane v3, v2;
	s0 =	rddreg [dreg:$0x10]  }
0x50: {  	[tilespmem:s0], [sflag:$0x1] =	stream.indirect_vreg.gather [hbm4b:s5+s3], $0x80, v4, vm0, $0xb8;
	[tilespmem:$0x14080] =	vst v63  }
0x51: {  	v3 =	vadd.s32 v1, v3;
	s8 =	rddreg [dreg:$0x11]  }
0x52: {  	[tilespmem:s8], [sflag:$0x1] =	stream.indirect_vreg.gather [hbm4b:s6+s3], $0x80, v4, vm0, $0xb8;
	[tilespmem:$0x14080] =	vst v63  }
0x53: {  	s0 =	rddreg [dreg:$0x12]  }
0x54: {  	[tilespmem:s0], [sflag:$0x1] =	stream.indirect_vreg.gather [hbm4b:s7+s3], $0x80, v4, vm0, $0xb8;
	[tilespmem:$0x14080] =	vst v63  }
0x55: {  	s8 =	rddreg [dreg:$0x13]  }
0x56: {  	[tilespmem:s8], [sflag:$0x1] =	stream.indirect_vreg.gather [hbm4b:s2+s3], $0x80, v3, vm0, $0xb8;
	[tilespmem:$0x14080] =	vst v63  }
0x57: {  	s0 =	rddreg [dreg:$0x14]  }
0x58: {  	[tilespmem:s0], [sflag:$0x1] =	stream.indirect_vreg.gather [hbm4b:s4+s3], $0x80, v3, vm0, $0xb8;
	[tilespmem:$0x14080] =	vst v63  }
0x59: {  	s8 =	rddreg [dreg:$0x15]  }
0x5a: {  	[tilespmem:s8], [sflag:$0x1] =	stream.indirect_vreg.gather [hbm4b:s5+s3], $0x80, v3, vm0, $0xb8;
	[tilespmem:$0x14080] =	vst v63  }
0x5b: {  	s0 =	rddreg [dreg:$0x16]  }
0x5c: {  	[tilespmem:s0], [sflag:$0x1] =	stream.indirect_vreg.gather [hbm4b:s6+s3], $0x80, v3, vm0, $0xb8;
	[tilespmem:$0x14080] =	vst v63  }
0x5d: {  	s8 =	rddreg [dreg:$0x17]  }
0x5e: {  	[tilespmem:s8], [sflag:$0x1] =	stream.indirect_vreg.gather [hbm4b:s7+s3], $0x80, v3, vm0, $0xb8;
	[tilespmem:$0x14080] =	vst v63  }
0x5f: {  	v3 =	vld [tilespmem:$0x20];
	_ =	sdelay $0x4  }
0x60: {  	v62 =	vshrl.u32 v3, $0x3  }
0x61: {  	v4 =	vmul.u32 $0x50, v62  }
0x62: {  	v3 =	vand.u32 $0x7, v3  }
0x63: {  	v3 =	vor.u32 v3, v4  }
0x64: {  	v4 =	vperm.xlane v3, v0;
	_ =	sdelay $0x1  }
0x65: {  	v4 =	vadd.s32 v1, v4;
	_ =	sdelay $0x3  }
0x66: {  	s0 =	rddreg [dreg:$0x18]  }
0x67: {  	[tilespmem:s0], [sflag:$0x1] =	stream.indirect_vreg.gather [hbm4b:s2+s3], $0x80, v4, vm0, $0xb8;
	[tilespmem:$0x14080] =	vst v63  }
0x68: {  	s8 =	rddreg [dreg:$0x19]  }
0x69: {  	[tilespmem:s8], [sflag:$0x1] =	stream.indirect_vreg.gather [hbm4b:s4+s3], $0x80, v4, vm0, $0xb8;
	[tilespmem:$0x14080] =	vst v63  }
0x6a: {  	v3 =	vperm.xlane v3, v2;
	s0 =	rddreg [dreg:$0x1a]  }
0x6b: {  	[tilespmem:s0], [sflag:$0x1] =	stream.indirect_vreg.gather [hbm4b:s5+s3], $0x80, v4, vm0, $0xb8;
	[tilespmem:$0x14080] =	vst v63  }
0x6c: {  	v3 =	vadd.s32 v1, v3  }
0x6d: {  	[tilespmem:s12], [sflag:$0x1] =	stream.indirect_vreg.gather [hbm4b:s6+s3], $0x80, v4, vm0, $0xb8;
	[tilespmem:$0x14080] =	vst v63  }
0x6e: {  	_ = 	snop  }
0x6f: {  	[tilespmem:s13], [sflag:$0x1] =	stream.indirect_vreg.gather [hbm4b:s7+s3], $0x80, v4, vm0, $0xb8;
	[tilespmem:$0x14080] =	vst v63  }
0x70: {  	_ = 	snop  }
0x71: {  	[tilespmem:s14], [sflag:$0x1] =	stream.indirect_vreg.gather [hbm4b:s2+s3], $0x80, v3, vm0, $0xb8;
	[tilespmem:$0x14080] =	vst v63  }
0x72: {  	_ = 	snop  }
0x73: {  	[tilespmem:s15], [sflag:$0x1] =	stream.indirect_vreg.gather [hbm4b:s4+s3], $0x80, v3, vm0, $0xb8;
	[tilespmem:$0x14080] =	vst v63  }
0x74: {  	_ = 	snop  }
0x75: {  	[tilespmem:s16], [sflag:$0x1] =	stream.indirect_vreg.gather [hbm4b:s5+s3], $0x80, v3, vm0, $0xb8;
	[tilespmem:$0x14080] =	vst v63  }
0x76: {  	_ = 	snop  }
0x77: {  	[tilespmem:s17], [sflag:$0x1] =	stream.indirect_vreg.gather [hbm4b:s6+s3], $0x80, v3, vm0, $0xb8;
	[tilespmem:$0x14080] =	vst v63  }
0x78: {  	_ = 	snop  }
0x79: {  	[tilespmem:s18], [sflag:$0x1] =	stream.indirect_vreg.gather [hbm4b:s7+s3], $0x80, v3, vm0, $0xb8;
	[tilespmem:$0x14080] =	vst v63  }
0x7a: {  	v3 =	vld [tilespmem:$0x30];
	_ =	sdelay $0x4  }
0x7b: {  	v63 =	vshrl.u32 v3, $0x3  }
0x7c: {  	v4 =	vmul.u32 $0x50, v63  }
0x7d: {  	v3 =	vand.u32 $0x7, v3  }
0x7e: {  	v3 =	vor.u32 v3, v4  }
0x7f: {  	v4 =	vperm.xlane v3, v0;
	_ =	sdelay $0x1  }
0x80: {  	v4 =	vadd.s32 v1, v4;
	_ =	sdelay $0x4  }
0x81: {  	[tilespmem:s19], [sflag:$0x1] =	stream.indirect_vreg.gather [hbm4b:s2+s3], $0x80, v4, vm0, $0xb8;
	[tilespmem:$0x14080] =	vst v63  }
0x82: {  	_ = 	snop  }
0x83: {  	[tilespmem:s20], [sflag:$0x1] =	stream.indirect_vreg.gather [hbm4b:s4+s3], $0x80, v4, vm0, $0xb8;
	[tilespmem:$0x14080] =	vst v63  }
0x84: {  	v3 =	vperm.xlane v3, v2  }
0x85: {  	[tilespmem:s21], [sflag:$0x1] =	stream.indirect_vreg.gather [hbm4b:s5+s3], $0x80, v4, vm0, $0xb8;
	[tilespmem:$0x14080] =	vst v63  }
0x86: {  	v3 =	vadd.s32 v1, v3  }
0x87: {  	[tilespmem:s22], [sflag:$0x1] =	stream.indirect_vreg.gather [hbm4b:s6+s3], $0x80, v4, vm0, $0xb8;
	[tilespmem:$0x14080] =	vst v63  }
0x88: {  	_ = 	snop  }
0x89: {  	[tilespmem:s23], [sflag:$0x1] =	stream.indirect_vreg.gather [hbm4b:s7+s3], $0x80, v4, vm0, $0xb8;
	[tilespmem:$0x14080] =	vst v63  }
0x8a: {  	_ = 	snop  }
0x8b: {  	[tilespmem:s24], [sflag:$0x1] =	stream.indirect_vreg.gather [hbm4b:s2+s3], $0x80, v3, vm0, $0xb8;
	[tilespmem:$0x14080] =	vst v63  }
0x8c: {  	_ = 	snop  }
0x8d: {  	[tilespmem:s25], [sflag:$0x1] =	stream.indirect_vreg.gather [hbm4b:s4+s3], $0x80, v3, vm0, $0xb8;
	[tilespmem:$0x14080] =	vst v63  }
0x8e: {  	_ = 	snop  }
0x8f: {  	[tilespmem:s26], [sflag:$0x1] =	stream.indirect_vreg.gather [hbm4b:s5+s3], $0x80, v3, vm0, $0xb8;
	[tilespmem:$0x14080] =	vst v63  }
0x90: {  	_ = 	snop  }
0x91: {  	[tilespmem:s28], [sflag:$0x1] =	stream.indirect_vreg.gather [hbm4b:s6+s3], $0x80, v3, vm0, $0xb8;
	[tilespmem:$0x14080] =	vst v63  }
0x92: {  	_ = 	snop  }
0x93: {  	[tilespmem:s29], [sflag:$0x1] =	stream.indirect_vreg.gather [hbm4b:s7+s3], $0x80, v3, vm0, $0xb8;
	[tilespmem:$0x14080] =	vst v63  }
0x94: {  	_ =	swait.ge [sflag:s30], $0x14000  }
0x95: {  	p0 =	sne.s32 s1, $0x58;
	[sflag:s30] =	ssyncset.done $0x0  }
.Ltmp0:
0x96: {  	[sflag:s30] =	ssyncadd.s32 $0xFFFEC000;
	(pc) =	sbr.rel @p0 .LBB2_2-.Ltmp0, $4  }
0x97: {  	[hbm4b:s9+s3] =	stream.linear.scatter [tilespmem:s11], [sflag:$0x2], $0x14000, $0x38;
	[tilespmem:$0x14080] =	vst v63  }
0x98: {  	_ =	swait.ge [sflag:s10], $0x14000  }
0x99: {  	[sflag:s10] =	ssyncset.done $0x0  }
0x9a: {  	s1 =	sadd.s32 $0x8, s1;
	s9 =	sadd.s32 $0x2800, s9;
	[sflag:s10] =	ssyncadd.s32 $0xFFFEC000  }
0x9b: {  	s31 =	sadd.s32 $0x1, s31;
	s0 =	rddreg [dreg:$0x1b]  }
0x9c: {  	p0 =	sne.s32 s31, s0  }
.Ltmp1:
0x9d: {  	_ = 	snop;
	(pc) =	sbr.rel @p0 .LBB2_1-.Ltmp1, $1  }
0x9e: {  	_ =	sdelay $0x3  }
0x9f: {  	_ =	sfence.sel $0x180000  }
0xa0: {  	[bflag:$0x0] =	sbarrier.arrive $0xFFFF  }
0xa1: {  	_ =	strace $0x90000047  }
0xa2: {  	s0 =	stileid.u32;
	[bflag:$0x2] =	sbarrier.arrive $0xFFFF  }
0xa3: {  	p0 =	sne.s32 s0, $0x0;
	s0 =	rddreg [dreg:$0x3]  }
0xa4: {  	s0 =	sadd.s32 @!p0 $0x100000, s0  }
0xa5: {  	[sflag:s0] =	ssyncadd.tile.s32 @!p0 $0x1;
	_ =	shalt  }
.Lfunc_end2:
_tile_overlayer_lowered:
.L_overlay_start_2:
0xa6: {  	(tag) =	ssettag $0x2  }
0xa7: {  	s0 =	rddreg [dreg:$0x0];
	s2 =	stileid.u32  }
0xa8: {  	s1 =	rddreg [dreg:$0x1];
	p0 =	sne.s32 s2, $0x0  }
0xa9: {  	s3 =	rddreg [dreg:$0x2];
	[bflag:$0x3] =	sbarrier.arrive $0xFFFF;
	s2 =	simm.s32 @!p0 $0x1C02  }
0xaa: {  	[timem:s3], [sflag:s2] =	dma.local @!p0 [hbm:s0], s1  }
0xab: {  	s0 =	simm.s32 @!p0 $0x2  }
0xac: {  	_ =	swait.ge @!p0 [sflag:s0], s1  }
0xad: {  	s1 =	ssub.s32 @!p0 $0x0, s1;
	[sflag:s0] =	ssyncset.done @!p0 $0x0  }
0xae: {  	[sflag:s0] =	ssyncadd.s32 @!p0 s1  }
0xaf: {  	[bflag:$0x3] =	sbarrier.arrive $0xFFFF  }
0xb0: {  	_ =	shalt  }

</sc_bundles>
